<compile_context>
chip_gen: v7x
topology: tpu7x:2x2x1
jax: 0.10.2.dev20260603
libtpu: 0.0.44.dev20260713+nightly
codegen_flags: <defaults>
</compile_context>

<pallas_src>
import functools

import jax
import jax.numpy as jnp
import numpy as np
from jax import lax
from jax.experimental import pallas as pl
from jax.experimental.pallas import tpu as pltpu
from jax.experimental.pallas import tpu_sc as plsc

_B = 16
_ROW = 2048
_N = _B * _ROW
_LANES = 16
_HALF = _ROW // 2
_ITERS = _HALF // _LANES


def _deg2dist(deg):
    return 2.0 * np.sin(np.radians(deg) / 2.0)


_THRESH_DEG = np.ones(_B, dtype=np.float32)
_T_MIN = np.float32(_deg2dist(10.0 / 3600.0) ** 2)
_T_MAX = (_deg2dist(_THRESH_DEG) ** 2).astype(np.float32)
_LOG_RANGE = np.log(_T_MAX / _T_MIN).astype(np.float32)
_INV_T_MIN = float(1.0 / _T_MIN)
_LOG_RANGE_C = float(_LOG_RANGE[0])


def _body(up_hbm, uo_hbm, nh_hbm, r_hbm, pp_hbm,
          v_hbm, h_hbm, lam_hbm,
          ux_v, uy_v, uz_v, ox_v, oy_v, oz_v, v_v, m_v,
          nh_v, r_v, pp_v, lam_v, cnt_v, pc_v, shared, sem):
    c = lax.axis_index("c")
    s = lax.axis_index("s")
    b = c * 8 + lax.div(s, 2)
    half = lax.rem(s, 2)
    base = b * _ROW + half * _HALF

    cps = [
        pltpu.async_copy(up_hbm.at[pl.ds(base, _HALF)], ux_v, sem),
        pltpu.async_copy(up_hbm.at[pl.ds(_N + base, _HALF)], uy_v, sem),
        pltpu.async_copy(up_hbm.at[pl.ds(2 * _N + base, _HALF)], uz_v, sem),
        pltpu.async_copy(uo_hbm.at[pl.ds(base, _HALF)], ox_v, sem),
        pltpu.async_copy(uo_hbm.at[pl.ds(_N + base, _HALF)], oy_v, sem),
        pltpu.async_copy(uo_hbm.at[pl.ds(2 * _N + base, _HALF)], oz_v, sem),
        pltpu.async_copy(nh_hbm, nh_v, sem),
        pltpu.async_copy(r_hbm, r_v, sem),
        pltpu.async_copy(pp_hbm, pp_v, sem),
    ]
    for cp in cps:
        cp.wait()

    lane = lax.iota(jnp.int32, _LANES)
    sel = lane == b

    pl_ = pp_v[...] * _LOG_RANGE_C
    thresh_vec = _T_MIN * jnp.exp(pl_)
    inv_thresh_vec = _INV_T_MIN * jnp.exp(-pl_)
    thr = jnp.sum(jnp.where(sel, thresh_vec, 0.0))
    inv_thr = jnp.sum(jnp.where(sel, inv_thresh_vec, 0.0))
    nh = jnp.sum(jnp.where(sel, nh_v[...], 0.0))

    def step(j, cnt):
        k = j * _LANES
        sl = pl.ds(k, _LANES)
        dx = ux_v[sl] - ox_v[sl]
        dy = uy_v[sl] - oy_v[sl]
        dz = uz_v[sl] - oz_v[sl]
        s2 = dx * dx + dy * dy + dz * dz
        m = s2 < thr
        mf = jnp.where(m, 1.0, 0.0)
        v_v[sl] = jnp.where(m, s2 * inv_thr, 0.0)
        m_v[sl] = mf
        return cnt + mf

    cnt = lax.fori_loop(0, _ITERS, step, jnp.zeros((_LANES,), jnp.float32))

    ocp1 = pltpu.async_copy(v_v, v_hbm.at[pl.ds(base, _HALF)], sem)

    cnt_v[...] = cnt
    pltpu.sync_copy(cnt_v, shared.at[pl.ds(s * _LANES, _LANES)])
    plsc.subcore_barrier()
    partner = s + 1 - 2 * half
    pltpu.sync_copy(shared.at[pl.ds(partner * _LANES, _LANES)], pc_v)
    count = jnp.sum(cnt + pc_v[...])
    h0 = jnp.full((_LANES,), nh) / jnp.full((_LANES,), jnp.maximum(count, 1.0))
    h16 = jnp.where(jnp.full((_LANES,), count) > 0.0, h0, 0.0)

    def step2(j, carry):
        k = j * _LANES
        m_v[pl.ds(k, _LANES)] = m_v[pl.ds(k, _LANES)] * h16
        return carry

    lax.fori_loop(0, _ITERS, step2, 0)

    ocp2 = pltpu.async_copy(m_v, h_hbm.at[pl.ds(base, _HALF)], sem)

    @pl.when(jnp.logical_and(c == 0, s == 0))
    def _():
        rr = r_v[...]
        lam_v[...] = thresh_vec * 0.5 / (rr * rr)
        pltpu.sync_copy(lam_v, lam_hbm)

    ocp1.wait()
    ocp2.wait()


_mesh = plsc.VectorSubcoreMesh(
    core_axis_name="c", subcore_axis_name="s", num_cores=2, num_subcores=16)

_sc_call = functools.partial(
    pl.kernel,
    out_type=[
        jax.ShapeDtypeStruct((_N,), jnp.float32),
        jax.ShapeDtypeStruct((_N,), jnp.float32),
        jax.ShapeDtypeStruct((_B,), jnp.float32),
    ],
    mesh=_mesh,
    compiler_params=pltpu.CompilerParams(needs_layout_passes=False),
    scratch_types=[
        pltpu.VMEM((_HALF,), jnp.float32),
        pltpu.VMEM((_HALF,), jnp.float32),
        pltpu.VMEM((_HALF,), jnp.float32),
        pltpu.VMEM((_HALF,), jnp.float32),
        pltpu.VMEM((_HALF,), jnp.float32),
        pltpu.VMEM((_HALF,), jnp.float32),
        pltpu.VMEM((_HALF,), jnp.float32),
        pltpu.VMEM((_HALF,), jnp.float32),
        pltpu.VMEM((_LANES,), jnp.float32),
        pltpu.VMEM((_LANES,), jnp.float32),
        pltpu.VMEM((_LANES,), jnp.float32),
        pltpu.VMEM((_LANES,), jnp.float32),
        pltpu.VMEM((_LANES,), jnp.float32),
        pltpu.VMEM((_LANES,), jnp.float32),
        pltpu.VMEM_SHARED((16 * _LANES,), jnp.float32),
        pltpu.SemaphoreType.DMA,
    ],
)(_body)


@jax.jit
def kernel(u_pred, num_hits, R, mag_pred, sigma_mag, u_obs, thresh_s2_param):
    del mag_pred, sigma_mag
    upt = u_pred.T.reshape(-1)
    uot = u_obs.T.reshape(-1)
    v, h_vec, lam = _sc_call(upt, uot, num_hits, R, thresh_s2_param)
    return v, h_vec, lam

# --- scband reference (transcript-rebuilt; emitter-appended) ---
"""Pipeline reference for scband-trajectory-score-68101001445760 (READ-ONLY COPY).

The authoritative reference and input builder live on the scoring server;
editing this copy changes nothing except your own understanding.
"""

import jax, jax.numpy as jnp
import numpy as np

B = 16
ROW_LEN = 2048
N = B * ROW_LEN  # 32768 total observations
ROW_LENGTHS = np.full(B, ROW_LEN, dtype=np.int32)
SEGMENT_IDS = np.repeat(np.arange(B, dtype=np.int32), ROW_LENGTHS)

def deg2dist(deg):
    # Cartesian chord distance on the unit sphere corresponding to an angle in degrees
    return 2.0 * np.sin(np.radians(deg) / 2.0)

THRESH_DEG = np.ones(B, dtype=np.float32)
THRESH_S2_MIN = np.float32(deg2dist(10.0 / 3600.0) ** 2)
THRESH_S2_MAX = (deg2dist(THRESH_DEG) ** 2).astype(np.float32)
LOG_THRESH_S2_RANGE = np.log(THRESH_S2_MAX / THRESH_S2_MIN).astype(np.float32)


def setup_inputs(seed: int = 0) -> dict:
    key = jax.random.key(seed)
    k1, k2, k3, k4, k5, k6 = jax.random.split(key, 6)
    # Observed directions: unit vectors (constructor constant u_obs)
    u_raw = jax.random.normal(k1, (N, 3), dtype=jnp.float32)
    u_obs = u_raw / jnp.linalg.norm(u_raw, axis=-1, keepdims=True)
    # Predicted directions close to observed so the is_close mask is nontrivial
    u_pred = u_obs + 0.002 * jax.random.normal(k2, (N, 3), dtype=jnp.float32)
    num_hits = jax.random.uniform(k3, (B,), dtype=jnp.float32) * 50.0 + 1.0
    R = jax.random.uniform(k4, (B,), dtype=jnp.float32) * 0.005 + 1e-4
    mag_pred = jax.random.normal(k5, (N,), dtype=jnp.float32) + 16.0
    sigma_mag = jax.random.uniform(k6, (B,), dtype=jnp.float32) * 0.5 + 0.1
    # Trainable threshold parameter thresh_s2_ (inverse transform of thresh_s2_max -> 1.0)
    thresh_s2_param = jnp.ones((B,), dtype=jnp.float32)
    return {"u_pred": u_pred, "num_hits": num_hits, "R": R, "mag_pred": mag_pred,
            "sigma_mag": sigma_mag, "u_obs": u_obs, "thresh_s2_param": thresh_s2_param}


def reference(u_pred, num_hits, R, mag_pred, sigma_mag, u_obs, thresh_s2_param):
    seg = jnp.asarray(SEGMENT_IDS)
    log_range = jnp.asarray(LOG_THRESH_S2_RANGE)
    # get_thresh_s2(): transformed threshold, one per candidate element
    thresh_s2_elt = THRESH_S2_MIN * jnp.exp(thresh_s2_param * log_range)
    half_thresh_s2 = thresh_s2_elt * 0.5
    R2 = jnp.square(R)
    lam = half_thresh_s2 / R2
    # Distance between predicted and observed directions
    du = u_pred - u_obs
    s2 = jnp.sum(jnp.square(du), axis=-1)
    # Repeat per-element threshold to per-observation (constant row lengths)
    thresh_s2_rep = jnp.repeat(thresh_s2_elt, ROW_LEN)
    is_close = s2 < thresh_s2_rep
    # Mask-based equivalent of tf.boolean_mask: fixed shape, excluded entries are 0
    v = jnp.where(is_close, s2 / thresh_s2_rep, 0.0)
    # Number of close observations per candidate element (ragged row reduction)
    row_lengths_close_float = jax.ops.segment_sum(is_close.astype(jnp.float32), seg, num_segments=B)
    h = num_hits / row_lengths_close_float
    h_rep = jnp.repeat(h, ROW_LEN)
    h_vec = jnp.where(is_close, h_rep, 0.0)
    return v, h_vec, lam

if __name__ == "__main__":
    import jax
    _d = setup_inputs()
    print(jax.jit(kernel)(*tuple(_d.values())))

</pallas_src>

<mosaic_0001>
#map = affine_map<(d0, d1) -> (0)>
module attributes {stable_mosaic.version = 14 : i64} {
  func.func @_body(%arg0: i32, %arg1: i32, %arg2: memref<98304xf32, #tpu.memory_space<hbm>>, %arg3: memref<98304xf32, #tpu.memory_space<hbm>>, %arg4: memref<16xf32, #tpu.memory_space<hbm>>, %arg5: memref<16xf32, #tpu.memory_space<hbm>>, %arg6: memref<16xf32, #tpu.memory_space<hbm>>, %arg7: memref<32768xf32, #tpu.memory_space<hbm>>, %arg8: memref<32768xf32, #tpu.memory_space<hbm>>, %arg9: memref<16xf32, #tpu.memory_space<hbm>>, %arg10: memref<1024xf32, #tpu.memory_space<vmem>>, %arg11: memref<1024xf32, #tpu.memory_space<vmem>>, %arg12: memref<1024xf32, #tpu.memory_space<vmem>>, %arg13: memref<1024xf32, #tpu.memory_space<vmem>>, %arg14: memref<1024xf32, #tpu.memory_space<vmem>>, %arg15: memref<1024xf32, #tpu.memory_space<vmem>>, %arg16: memref<1024xf32, #tpu.memory_space<vmem>>, %arg17: memref<1024xf32, #tpu.memory_space<vmem>>, %arg18: memref<16xf32, #tpu.memory_space<vmem>>, %arg19: memref<16xf32, #tpu.memory_space<vmem>>, %arg20: memref<16xf32, #tpu.memory_space<vmem>>, %arg21: memref<16xf32, #tpu.memory_space<vmem>>, %arg22: memref<16xf32, #tpu.memory_space<vmem>>, %arg23: memref<16xf32, #tpu.memory_space<vmem>>, %arg24: memref<256xf32, #tpu.memory_space<vmem_shared>>, %arg25: memref<!tpu.dma_semaphore, #tpu.memory_space<semaphore_mem>>) attributes {dimension_semantics = [#tpu.dimension_semantics<core_parallel>, #tpu.dimension_semantics<subcore_parallel>], iteration_bounds = array<i64: 2, 16>, scalar_prefetch = 0 : i64, scratch_operands = 16 : i64, tpu.core_type = #tpu.core_type<sc_vector_subcore>, window_params = [{transform_indices = #map}, {transform_indices = #map}, {transform_indices = #map}, {transform_indices = #map}, {transform_indices = #map}, {transform_indices = #map}, {transform_indices = #map}, {transform_indices = #map}]} {
    %mul3A = arith.constant 8 : i32
    %mul3A_0 = arith.muli %arg0, %mul3A : i32
    %div3A = arith.constant 2 : i32
    %div3A_1 = arith.divsi %arg1, %div3A : i32
    %add3A = arith.addi %mul3A_0, %div3A_1 : i32
    %rem3A = arith.constant 2 : i32
    %rem3A_2 = arith.remsi %arg1, %rem3A : i32
    %mul3A_3 = arith.constant 2048 : i32
    %mul3A_4 = arith.muli %add3A, %mul3A_3 : i32
    %mul3A_5 = arith.constant 1024 : i32
    %mul3A_6 = arith.muli %rem3A_2, %mul3A_5 : i32
    %add3A_7 = arith.addi %mul3A_4, %mul3A_6 : i32
    %dma_start3A = tpu.memref_slice %arg2[%add3A_7] : memref<98304xf32, #tpu.memory_space<hbm>> -> memref<1024xf32, #tpu.memory_space<hbm>>
    %dma_start3A_8 = tpu.memref_slice %arg2[%add3A_7] : memref<98304xf32, #tpu.memory_space<hbm>> -> memref<1024xf32, #tpu.memory_space<hbm>>
    tpu.enqueue_dma source(%dma_start3A_8 : memref<1024xf32, #tpu.memory_space<hbm>>) target(%arg10 : memref<1024xf32, #tpu.memory_space<vmem>>) target_semaphore(%arg25 : memref<!tpu.dma_semaphore, #tpu.memory_space<semaphore_mem>>)
    %add3A_9 = arith.constant 32768 : i32
    %add3A_10 = arith.addi %add3A_9, %add3A_7 : i32
    %dma_start3A_11 = tpu.memref_slice %arg2[%add3A_10] : memref<98304xf32, #tpu.memory_space<hbm>> -> memref<1024xf32, #tpu.memory_space<hbm>>
    %dma_start3A_12 = tpu.memref_slice %arg2[%add3A_10] : memref<98304xf32, #tpu.memory_space<hbm>> -> memref<1024xf32, #tpu.memory_space<hbm>>
    tpu.enqueue_dma source(%dma_start3A_12 : memref<1024xf32, #tpu.memory_space<hbm>>) target(%arg11 : memref<1024xf32, #tpu.memory_space<vmem>>) target_semaphore(%arg25 : memref<!tpu.dma_semaphore, #tpu.memory_space<semaphore_mem>>)
    %add3A_13 = arith.constant 65536 : i32
    %add3A_14 = arith.addi %add3A_13, %add3A_7 : i32
    %dma_start3A_15 = tpu.memref_slice %arg2[%add3A_14] : memref<98304xf32, #tpu.memory_space<hbm>> -> memref<1024xf32, #tpu.memory_space<hbm>>
    %dma_start3A_16 = tpu.memref_slice %arg2[%add3A_14] : memref<98304xf32, #tpu.memory_space<hbm>> -> memref<1024xf32, #tpu.memory_space<hbm>>
    tpu.enqueue_dma source(%dma_start3A_16 : memref<1024xf32, #tpu.memory_space<hbm>>) target(%arg12 : memref<1024xf32, #tpu.memory_space<vmem>>) target_semaphore(%arg25 : memref<!tpu.dma_semaphore, #tpu.memory_space<semaphore_mem>>)
    %dma_start3A_17 = tpu.memref_slice %arg3[%add3A_7] : memref<98304xf32, #tpu.memory_space<hbm>> -> memref<1024xf32, #tpu.memory_space<hbm>>
    %dma_start3A_18 = tpu.memref_slice %arg3[%add3A_7] : memref<98304xf32, #tpu.memory_space<hbm>> -> memref<1024xf32, #tpu.memory_space<hbm>>
    tpu.enqueue_dma source(%dma_start3A_18 : memref<1024xf32, #tpu.memory_space<hbm>>) target(%arg13 : memref<1024xf32, #tpu.memory_space<vmem>>) target_semaphore(%arg25 : memref<!tpu.dma_semaphore, #tpu.memory_space<semaphore_mem>>)
    %add3A_19 = arith.constant 32768 : i32
    %add3A_20 = arith.addi %add3A_19, %add3A_7 : i32
    %dma_start3A_21 = tpu.memref_slice %arg3[%add3A_20] : memref<98304xf32, #tpu.memory_space<hbm>> -> memref<1024xf32, #tpu.memory_space<hbm>>
    %dma_start3A_22 = tpu.memref_slice %arg3[%add3A_20] : memref<98304xf32, #tpu.memory_space<hbm>> -> memref<1024xf32, #tpu.memory_space<hbm>>
    tpu.enqueue_dma source(%dma_start3A_22 : memref<1024xf32, #tpu.memory_space<hbm>>) target(%arg14 : memref<1024xf32, #tpu.memory_space<vmem>>) target_semaphore(%arg25 : memref<!tpu.dma_semaphore, #tpu.memory_space<semaphore_mem>>)
    %add3A_23 = arith.constant 65536 : i32
    %add3A_24 = arith.addi %add3A_23, %add3A_7 : i32
    %dma_start3A_25 = tpu.memref_slice %arg3[%add3A_24] : memref<98304xf32, #tpu.memory_space<hbm>> -> memref<1024xf32, #tpu.memory_space<hbm>>
    %dma_start3A_26 = tpu.memref_slice %arg3[%add3A_24] : memref<98304xf32, #tpu.memory_space<hbm>> -> memref<1024xf32, #tpu.memory_space<hbm>>
    tpu.enqueue_dma source(%dma_start3A_26 : memref<1024xf32, #tpu.memory_space<hbm>>) target(%arg15 : memref<1024xf32, #tpu.memory_space<vmem>>) target_semaphore(%arg25 : memref<!tpu.dma_semaphore, #tpu.memory_space<semaphore_mem>>)
    tpu.enqueue_dma source(%arg4 : memref<16xf32, #tpu.memory_space<hbm>>) target(%arg18 : memref<16xf32, #tpu.memory_space<vmem>>) target_semaphore(%arg25 : memref<!tpu.dma_semaphore, #tpu.memory_space<semaphore_mem>>)
    tpu.enqueue_dma source(%arg5 : memref<16xf32, #tpu.memory_space<hbm>>) target(%arg19 : memref<16xf32, #tpu.memory_space<vmem>>) target_semaphore(%arg25 : memref<!tpu.dma_semaphore, #tpu.memory_space<semaphore_mem>>)
    tpu.enqueue_dma source(%arg6 : memref<16xf32, #tpu.memory_space<hbm>>) target(%arg20 : memref<16xf32, #tpu.memory_space<vmem>>) target_semaphore(%arg25 : memref<!tpu.dma_semaphore, #tpu.memory_space<semaphore_mem>>)
    %dma_wait3A = tpu.memref_slice %arg2[%add3A_7] : memref<98304xf32, #tpu.memory_space<hbm>> -> memref<1024xf32, #tpu.memory_space<hbm>>
    %dma_wait3A_27 = tpu.memref_slice %arg2[%add3A_7] : memref<98304xf32, #tpu.memory_space<hbm>> -> memref<1024xf32, #tpu.memory_space<hbm>>
    tpu.wait_dma2 semaphore(%arg25 : memref<!tpu.dma_semaphore, #tpu.memory_space<semaphore_mem>>) src(%dma_wait3A_27 : memref<1024xf32, #tpu.memory_space<hbm>>) dst(%arg10 : memref<1024xf32, #tpu.memory_space<vmem>>)
    %dma_wait3A_28 = tpu.memref_slice %arg2[%add3A_10] : memref<98304xf32, #tpu.memory_space<hbm>> -> memref<1024xf32, #tpu.memory_space<hbm>>
    %dma_wait3A_29 = tpu.memref_slice %arg2[%add3A_10] : memref<98304xf32, #tpu.memory_space<hbm>> -> memref<1024xf32, #tpu.memory_space<hbm>>
    tpu.wait_dma2 semaphore(%arg25 : memref<!tpu.dma_semaphore, #tpu.memory_space<semaphore_mem>>) src(%dma_wait3A_29 : memref<1024xf32, #tpu.memory_space<hbm>>) dst(%arg11 : memref<1024xf32, #tpu.memory_space<vmem>>)
    %dma_wait3A_30 = tpu.memref_slice %arg2[%add3A_14] : memref<98304xf32, #tpu.memory_space<hbm>> -> memref<1024xf32, #tpu.memory_space<hbm>>
    %dma_wait3A_31 = tpu.memref_slice %arg2[%add3A_14] : memref<98304xf32, #tpu.memory_space<hbm>> -> memref<1024xf32, #tpu.memory_space<hbm>>
    tpu.wait_dma2 semaphore(%arg25 : memref<!tpu.dma_semaphore, #tpu.memory_space<semaphore_mem>>) src(%dma_wait3A_31 : memref<1024xf32, #tpu.memory_space<hbm>>) dst(%arg12 : memref<1024xf32, #tpu.memory_space<vmem>>)
    %dma_wait3A_32 = tpu.memref_slice %arg3[%add3A_7] : memref<98304xf32, #tpu.memory_space<hbm>> -> memref<1024xf32, #tpu.memory_space<hbm>>
    %dma_wait3A_33 = tpu.memref_slice %arg3[%add3A_7] : memref<98304xf32, #tpu.memory_space<hbm>> -> memref<1024xf32, #tpu.memory_space<hbm>>
    tpu.wait_dma2 semaphore(%arg25 : memref<!tpu.dma_semaphore, #tpu.memory_space<semaphore_mem>>) src(%dma_wait3A_33 : memref<1024xf32, #tpu.memory_space<hbm>>) dst(%arg13 : memref<1024xf32, #tpu.memory_space<vmem>>)
    %dma_wait3A_34 = tpu.memref_slice %arg3[%add3A_20] : memref<98304xf32, #tpu.memory_space<hbm>> -> memref<1024xf32, #tpu.memory_space<hbm>>
    %dma_wait3A_35 = tpu.memref_slice %arg3[%add3A_20] : memref<98304xf32, #tpu.memory_space<hbm>> -> memref<1024xf32, #tpu.memory_space<hbm>>
    tpu.wait_dma2 semaphore(%arg25 : memref<!tpu.dma_semaphore, #tpu.memory_space<semaphore_mem>>) src(%dma_wait3A_35 : memref<1024xf32, #tpu.memory_space<hbm>>) dst(%arg14 : memref<1024xf32, #tpu.memory_space<vmem>>)
    %dma_wait3A_36 = tpu.memref_slice %arg3[%add3A_24] : memref<98304xf32, #tpu.memory_space<hbm>> -> memref<1024xf32, #tpu.memory_space<hbm>>
    %dma_wait3A_37 = tpu.memref_slice %arg3[%add3A_24] : memref<98304xf32, #tpu.memory_space<hbm>> -> memref<1024xf32, #tpu.memory_space<hbm>>
    tpu.wait_dma2 semaphore(%arg25 : memref<!tpu.dma_semaphore, #tpu.memory_space<semaphore_mem>>) src(%dma_wait3A_37 : memref<1024xf32, #tpu.memory_space<hbm>>) dst(%arg15 : memref<1024xf32, #tpu.memory_space<vmem>>)
    tpu.wait_dma2 semaphore(%arg25 : memref<!tpu.dma_semaphore, #tpu.memory_space<semaphore_mem>>) src(%arg4 : memref<16xf32, #tpu.memory_space<hbm>>) dst(%arg18 : memref<16xf32, #tpu.memory_space<vmem>>)
    tpu.wait_dma2 semaphore(%arg25 : memref<!tpu.dma_semaphore, #tpu.memory_space<semaphore_mem>>) src(%arg5 : memref<16xf32, #tpu.memory_space<hbm>>) dst(%arg19 : memref<16xf32, #tpu.memory_space<vmem>>)
    tpu.wait_dma2 semaphore(%arg25 : memref<!tpu.dma_semaphore, #tpu.memory_space<semaphore_mem>>) src(%arg6 : memref<16xf32, #tpu.memory_space<hbm>>) dst(%arg20 : memref<16xf32, #tpu.memory_space<vmem>>)
    %iota3A = tpu.iota {dimensions = array<i32: 0>} : vector<16xi32>
    %eq3A = vector.broadcast %add3A : i32 to vector<16xi32>
    %eq3A_38 = arith.cmpi eq, %iota3A, %eq3A : vector<16xi32>
    %get3A = arith.constant 0 : index
    %get3A_39 = tpu.vector_load %arg20[%get3A] {strides = array<i32>} : memref<16xf32, #tpu.memory_space<vmem>>, vector<16xf32>,
    %mul3A_40 = arith.constant 11.7721825 : f32
    %mul3A_41 = vector.broadcast %mul3A_40 : f32 to vector<16xf32>
    %mul3A_42 = arith.mulf %get3A_39, %mul3A_41 : vector<16xf32>
    %exp3A = math.exp %mul3A_42 : vector<16xf32>
    %mul3A_43 = arith.constant 2.35044295E-9 : f32
    %mul3A_44 = vector.broadcast %mul3A_43 : f32 to vector<16xf32>
    %mul3A_45 = arith.mulf %mul3A_44, %exp3A : vector<16xf32>
    %neg3A = arith.constant 0.000000e+00 : f32
    %neg3A_46 = vector.broadcast %neg3A : f32 to vector<16xf32>
    %neg3A_47 = arith.subf %neg3A_46, %mul3A_42 : vector<16xf32>
    %exp3A_48 = math.exp %neg3A_47 : vector<16xf32>
    %mul3A_49 = arith.constant 0x4DCADF06 : f32
    %mul3A_50 = vector.broadcast %mul3A_49 : f32 to vector<16xf32>
    %mul3A_51 = arith.mulf %mul3A_50, %exp3A_48 : vector<16xf32>
    %jit3A = arith.constant 0.000000e+00 : f32
    %broadcast_in_dim3A = vector.broadcast %jit3A : f32 to vector<16xf32>
    %select_n3A = arith.select %eq3A_38, %mul3A_45, %broadcast_in_dim3A : vector<16xi1>, vector<16xf32>
    %reduce_sum3A = arith.constant true
    %reduce_sum3A_52 = vector.broadcast %reduce_sum3A : i1 to vector<16xi1>
    %reduce_sum3A_53 = tpu.scan <sum>, %select_n3A masked %reduce_sum3A_52 : vector<16xf32>, vector<16xi1> -> vector<16xf32>
    %reduce_sum3A_54 = vector.extract %reduce_sum3A_53[15] : f32 from vector<16xf32>
    %jit3A_55 = arith.constant 0.000000e+00 : f32
    %broadcast_in_dim3A_56 = vector.broadcast %jit3A_55 : f32 to vector<16xf32>
    %select_n3A_57 = arith.select %eq3A_38, %mul3A_51, %broadcast_in_dim3A_56 : vector<16xi1>, vector<16xf32>
    %reduce_sum3A_58 = arith.constant true
    %reduce_sum3A_59 = vector.broadcast %reduce_sum3A_58 : i1 to vector<16xi1>
    %reduce_sum3A_60 = tpu.scan <sum>, %select_n3A_57 masked %reduce_sum3A_59 : vector<16xf32>, vector<16xi1> -> vector<16xf32>
    %reduce_sum3A_61 = vector.extract %reduce_sum3A_60[15] : f32 from vector<16xf32>
    %get3A_62 = arith.constant 0 : index
    %get3A_63 = tpu.vector_load %arg18[%get3A_62] {strides = array<i32>} : memref<16xf32, #tpu.memory_space<vmem>>, vector<16xf32>,
    %jit3A_64 = arith.constant 0.000000e+00 : f32
    %broadcast_in_dim3A_65 = vector.broadcast %jit3A_64 : f32 to vector<16xf32>
    %select_n3A_66 = arith.select %eq3A_38, %get3A_63, %broadcast_in_dim3A_65 : vector<16xi1>, vector<16xf32>
    %reduce_sum3A_67 = arith.constant true
    %reduce_sum3A_68 = vector.broadcast %reduce_sum3A_67 : i1 to vector<16xi1>
    %reduce_sum3A_69 = tpu.scan <sum>, %select_n3A_66 masked %reduce_sum3A_68 : vector<16xf32>, vector<16xi1> -> vector<16xf32>
    %reduce_sum3A_70 = vector.extract %reduce_sum3A_69[15] : f32 from vector<16xf32>
    %broadcast_in_dim3A_71 = arith.constant 0.000000e+00 : f32
    %broadcast_in_dim3A_72 = vector.broadcast %broadcast_in_dim3A_71 : f32 to vector<16xf32>
    %scan3A = arith.constant 0 : i32
    %scan3A_73 = arith.constant 64 : i32
    %scan3A_74 = arith.addi %scan3A, %scan3A_73 : i32
    %scan3A_75 = arith.constant 1 : i32
    %scan3A_76 = scf.for %scan3A_123 = %scan3A to %scan3A_74 step %scan3A_75 iter_args(%scan3A_124 = %broadcast_in_dim3A_72) -> (vector<16xf32>)  : i32 {
      %mul3A_125 = arith.constant 16 : i32
      %mul3A_126 = arith.muli %scan3A_123, %mul3A_125 : i32
      %get3A_127 = arith.index_cast %mul3A_126 : i32 to index
      %get3A_128 = tpu.vector_load %arg10[%get3A_127] {strides = array<i32>} : memref<1024xf32, #tpu.memory_space<vmem>>, vector<16xf32>,
      %get3A_129 = arith.index_cast %mul3A_126 : i32 to index
      %get3A_130 = tpu.vector_load %arg13[%get3A_129] {strides = array<i32>} : memref<1024xf32, #tpu.memory_space<vmem>>, vector<16xf32>,
      %sub3A_131 = arith.subf %get3A_128, %get3A_130 : vector<16xf32>
      %get3A_132 = arith.index_cast %mul3A_126 : i32 to index
      %get3A_133 = tpu.vector_load %arg11[%get3A_132] {strides = array<i32>} : memref<1024xf32, #tpu.memory_space<vmem>>, vector<16xf32>,
      %get3A_134 = arith.index_cast %mul3A_126 : i32 to index
      %get3A_135 = tpu.vector_load %arg14[%get3A_134] {strides = array<i32>} : memref<1024xf32, #tpu.memory_space<vmem>>, vector<16xf32>,
      %sub3A_136 = arith.subf %get3A_133, %get3A_135 : vector<16xf32>
      %get3A_137 = arith.index_cast %mul3A_126 : i32 to index
      %get3A_138 = tpu.vector_load %arg12[%get3A_137] {strides = array<i32>} : memref<1024xf32, #tpu.memory_space<vmem>>, vector<16xf32>,
      %get3A_139 = arith.index_cast %mul3A_126 : i32 to index
      %get3A_140 = tpu.vector_load %arg15[%get3A_139] {strides = array<i32>} : memref<1024xf32, #tpu.memory_space<vmem>>, vector<16xf32>,
      %sub3A_141 = arith.subf %get3A_138, %get3A_140 : vector<16xf32>
      %mul3A_142 = arith.mulf %sub3A_131, %sub3A_131 : vector<16xf32>
      %mul3A_143 = arith.mulf %sub3A_136, %sub3A_136 : vector<16xf32>
      %add3A_144 = arith.addf %mul3A_142, %mul3A_143 : vector<16xf32>
      %mul3A_145 = arith.mulf %sub3A_141, %sub3A_141 : vector<16xf32>
      %add3A_146 = arith.addf %add3A_144, %mul3A_145 : vector<16xf32>
      %lt3A = vector.broadcast %reduce_sum3A_54 : f32 to vector<16xf32>
      %lt3A_147 = arith.cmpf olt, %add3A_146, %lt3A : vector<16xf32>
      %jit3A_148 = arith.constant 1.000000e+00 : f32
      %jit3A_149 = arith.constant 0.000000e+00 : f32
      %broadcast_in_dim3A_150 = vector.broadcast %jit3A_148 : f32 to vector<16xf32>
      %broadcast_in_dim3A_151 = vector.broadcast %jit3A_149 : f32 to vector<16xf32>
      %select_n3A_152 = arith.select %lt3A_147, %broadcast_in_dim3A_150, %broadcast_in_dim3A_151 : vector<16xi1>, vector<16xf32>
      %mul3A_153 = vector.broadcast %reduce_sum3A_61 : f32 to vector<16xf32>
      %mul3A_154 = arith.mulf %add3A_146, %mul3A_153 : vector<16xf32>
      %jit3A_155 = arith.constant 0.000000e+00 : f32
      %broadcast_in_dim3A_156 = vector.broadcast %jit3A_155 : f32 to vector<16xf32>
      %select_n3A_157 = arith.select %lt3A_147, %mul3A_154, %broadcast_in_dim3A_156 : vector<16xi1>, vector<16xf32>
      %swap3A_158 = arith.index_cast %mul3A_126 : i32 to index
      %swap3A_159 = tpu.vector_load %arg16[%swap3A_158] {strides = array<i32>} : memref<1024xf32, #tpu.memory_space<vmem>>, vector<16xf32>,
      tpu.vector_store %arg16[%swap3A_158], %select_n3A_157 {strides = array<i32>} : memref<1024xf32, #tpu.memory_space<vmem>>, vector<16xf32>,
      %swap3A_160 = arith.index_cast %mul3A_126 : i32 to index
      %swap3A_161 = tpu.vector_load %arg17[%swap3A_160] {strides = array<i32>} : memref<1024xf32, #tpu.memory_space<vmem>>, vector<16xf32>,
      tpu.vector_store %arg17[%swap3A_160], %select_n3A_152 {strides = array<i32>} : memref<1024xf32, #tpu.memory_space<vmem>>, vector<16xf32>,
      %add3A_162 = arith.addf %scan3A_124, %select_n3A_152 : vector<16xf32>
      scf.yield %add3A_162 : vector<16xf32>
    }
    %scan3A_77 = arith.constant 64 : i32
    %dma_start3A_78 = tpu.memref_slice %arg7[%add3A_7] : memref<32768xf32, #tpu.memory_space<hbm>> -> memref<1024xf32, #tpu.memory_space<hbm>>
    %dma_start3A_79 = tpu.memref_slice %arg7[%add3A_7] : memref<32768xf32, #tpu.memory_space<hbm>> -> memref<1024xf32, #tpu.memory_space<hbm>>
    tpu.enqueue_dma source(%arg16 : memref<1024xf32, #tpu.memory_space<vmem>>) target(%dma_start3A_79 : memref<1024xf32, #tpu.memory_space<hbm>>) target_semaphore(%arg25 : memref<!tpu.dma_semaphore, #tpu.memory_space<semaphore_mem>>)
    %swap3A = arith.constant 0 : index
    %swap3A_80 = tpu.vector_load %arg22[%swap3A] {strides = array<i32>} : memref<16xf32, #tpu.memory_space<vmem>>, vector<16xf32>,
    tpu.vector_store %arg22[%swap3A], %scan3A_76 {strides = array<i32>} : memref<16xf32, #tpu.memory_space<vmem>>, vector<16xf32>,
    %mul3A_81 = arith.constant 16 : i32
    %mul3A_82 = arith.muli %arg1, %mul3A_81 : i32
    "tpu.region"() ({
      %run_scoped3A = tpu.sem_alloc : memref<!tpu.dma_semaphore, #tpu.memory_space<semaphore_mem>>
      %dma_start3A_123 = tpu.memref_slice %arg24[%mul3A_82] : memref<256xf32, #tpu.memory_space<vmem_shared>> -> memref<16xf32, #tpu.memory_space<vmem_shared>>
      %dma_start3A_124 = tpu.memref_slice %arg24[%mul3A_82] : memref<256xf32, #tpu.memory_space<vmem_shared>> -> memref<16xf32, #tpu.memory_space<vmem_shared>>
      tpu.enqueue_dma source(%arg22 : memref<16xf32, #tpu.memory_space<vmem>>) target(%dma_start3A_124 : memref<16xf32, #tpu.memory_space<vmem_shared>>) target_semaphore(%run_scoped3A : memref<!tpu.dma_semaphore, #tpu.memory_space<semaphore_mem>>)
      %dma_wait3A_125 = tpu.memref_slice %arg24[%mul3A_82] : memref<256xf32, #tpu.memory_space<vmem_shared>> -> memref<16xf32, #tpu.memory_space<vmem_shared>>
      %dma_wait3A_126 = tpu.memref_slice %arg24[%mul3A_82] : memref<256xf32, #tpu.memory_space<vmem_shared>> -> memref<16xf32, #tpu.memory_space<vmem_shared>>
      tpu.wait_dma2 semaphore(%run_scoped3A : memref<!tpu.dma_semaphore, #tpu.memory_space<semaphore_mem>>) src(%arg22 : memref<16xf32, #tpu.memory_space<vmem>>) dst(%dma_wait3A_126 : memref<16xf32, #tpu.memory_space<vmem_shared>>)
      tpu.yield
    }) : () -> ()
    %barrier3A = arith.constant 0 : index
    tpu.barrier barrier_id(%barrier3A)
    %add3A_83 = arith.constant 1 : i32
    %add3A_84 = arith.addi %arg1, %add3A_83 : i32
    %mul3A_85 = arith.constant 2 : i32
    %mul3A_86 = arith.muli %mul3A_85, %rem3A_2 : i32
    %sub3A = arith.subi %add3A_84, %mul3A_86 : i32
    %mul3A_87 = arith.constant 16 : i32
    %mul3A_88 = arith.muli %sub3A, %mul3A_87 : i32
    "tpu.region"() ({
      %run_scoped3A = tpu.sem_alloc : memref<!tpu.dma_semaphore, #tpu.memory_space<semaphore_mem>>
      %dma_start3A_123 = tpu.memref_slice %arg24[%mul3A_88] : memref<256xf32, #tpu.memory_space<vmem_shared>> -> memref<16xf32, #tpu.memory_space<vmem_shared>>
      %dma_start3A_124 = tpu.memref_slice %arg24[%mul3A_88] : memref<256xf32, #tpu.memory_space<vmem_shared>> -> memref<16xf32, #tpu.memory_space<vmem_shared>>
      tpu.enqueue_dma source(%dma_start3A_124 : memref<16xf32, #tpu.memory_space<vmem_shared>>) target(%arg23 : memref<16xf32, #tpu.memory_space<vmem>>) target_semaphore(%run_scoped3A : memref<!tpu.dma_semaphore, #tpu.memory_space<semaphore_mem>>)
      %dma_wait3A_125 = tpu.memref_slice %arg24[%mul3A_88] : memref<256xf32, #tpu.memory_space<vmem_shared>> -> memref<16xf32, #tpu.memory_space<vmem_shared>>
      %dma_wait3A_126 = tpu.memref_slice %arg24[%mul3A_88] : memref<256xf32, #tpu.memory_space<vmem_shared>> -> memref<16xf32, #tpu.memory_space<vmem_shared>>
      tpu.wait_dma2 semaphore(%run_scoped3A : memref<!tpu.dma_semaphore, #tpu.memory_space<semaphore_mem>>) src(%dma_wait3A_126 : memref<16xf32, #tpu.memory_space<vmem_shared>>) dst(%arg23 : memref<16xf32, #tpu.memory_space<vmem>>)
      tpu.yield
    }) : () -> ()
    %get3A_89 = arith.constant 0 : index
    %get3A_90 = tpu.vector_load %arg23[%get3A_89] {strides = array<i32>} : memref<16xf32, #tpu.memory_space<vmem>>, vector<16xf32>,
    %add3A_91 = arith.addf %scan3A_76, %get3A_90 : vector<16xf32>
    %reduce_sum3A_92 = arith.constant true
    %reduce_sum3A_93 = vector.broadcast %reduce_sum3A_92 : i1 to vector<16xi1>
    %reduce_sum3A_94 = tpu.scan <sum>, %add3A_91 masked %reduce_sum3A_93 : vector<16xf32>, vector<16xi1> -> vector<16xf32>
    %reduce_sum3A_95 = vector.extract %reduce_sum3A_94[15] : f32 from vector<16xf32>
    %broadcast_in_dim3A_96 = vector.broadcast %reduce_sum3A_70 : f32 to vector<16xf32>
    %max3A = arith.constant 1.000000e+00 : f32
    %max3A_97 = arith.maximumf %reduce_sum3A_95, %max3A : f32
    %broadcast_in_dim3A_98 = vector.broadcast %max3A_97 : f32 to vector<16xf32>
    %div3A_99 = arith.divf %broadcast_in_dim3A_96, %broadcast_in_dim3A_98 : vector<16xf32>
    %broadcast_in_dim3A_100 = vector.broadcast %reduce_sum3A_95 : f32 to vector<16xf32>
    %gt3A = arith.constant 0.000000e+00 : f32
    %gt3A_101 = vector.broadcast %gt3A : f32 to vector<16xf32>
    %gt3A_102 = arith.cmpf ogt, %broadcast_in_dim3A_100, %gt3A_101 : vector<16xf32>
    %jit3A_103 = arith.constant 0.000000e+00 : f32
    %broadcast_in_dim3A_104 = vector.broadcast %jit3A_103 : f32 to vector<16xf32>
    %select_n3A_105 = arith.select %gt3A_102, %div3A_99, %broadcast_in_dim3A_104 : vector<16xi1>, vector<16xf32>
    %scan3A_106 = arith.constant 0 : i32
    %scan3A_107 = arith.constant 0 : i32
    %scan3A_108 = arith.constant 64 : i32
    %scan3A_109 = arith.addi %scan3A_107, %scan3A_108 : i32
    %scan3A_110 = arith.constant 1 : i32
    scf.for %scan3A_123 = %scan3A_107 to %scan3A_109 step %scan3A_110  : i32 {
      %mul3A_124 = arith.constant 16 : i32
      %mul3A_125 = arith.muli %scan3A_123, %mul3A_124 : i32
      %get3A_126 = arith.index_cast %mul3A_125 : i32 to index
      %get3A_127 = tpu.vector_load %arg17[%get3A_126] {strides = array<i32>} : memref<1024xf32, #tpu.memory_space<vmem>>, vector<16xf32>,
      %mul3A_128 = arith.mulf %get3A_127, %select_n3A_105 : vector<16xf32>
      %swap3A_129 = arith.index_cast %mul3A_125 : i32 to index
      %swap3A_130 = tpu.vector_load %arg17[%swap3A_129] {strides = array<i32>} : memref<1024xf32, #tpu.memory_space<vmem>>, vector<16xf32>,
      tpu.vector_store %arg17[%swap3A_129], %mul3A_128 {strides = array<i32>} : memref<1024xf32, #tpu.memory_space<vmem>>, vector<16xf32>,
    }
    %scan3A_111 = arith.constant 64 : i32
    %dma_start3A_112 = tpu.memref_slice %arg8[%add3A_7] : memref<32768xf32, #tpu.memory_space<hbm>> -> memref<1024xf32, #tpu.memory_space<hbm>>
    %dma_start3A_113 = tpu.memref_slice %arg8[%add3A_7] : memref<32768xf32, #tpu.memory_space<hbm>> -> memref<1024xf32, #tpu.memory_space<hbm>>
    tpu.enqueue_dma source(%arg17 : memref<1024xf32, #tpu.memory_space<vmem>>) target(%dma_start3A_113 : memref<1024xf32, #tpu.memory_space<hbm>>) target_semaphore(%arg25 : memref<!tpu.dma_semaphore, #tpu.memory_space<semaphore_mem>>)
    %eq3A_114 = arith.constant 0 : i32
    %eq3A_115 = arith.cmpi eq, %arg0, %eq3A_114 : i32
    %eq3A_116 = arith.constant 0 : i32
    %eq3A_117 = arith.cmpi eq, %arg1, %eq3A_116 : i32
    %and3A = arith.andi %eq3A_115, %eq3A_117 : i1
    %convert_element_type3A = arith.extui %and3A : i1 to i32
    %cond3A = arith.constant 0 : i32
    %cond3A_118 = arith.cmpi ne, %convert_element_type3A, %cond3A : i32
    scf.if %cond3A_118 {
      %get3A_123 = arith.constant 0 : index
      %get3A_124 = tpu.vector_load %arg19[%get3A_123] {strides = array<i32>} : memref<16xf32, #tpu.memory_space<vmem>>, vector<16xf32>,
      %mul3A_125 = arith.constant 5.000000e-01 : f32
      %mul3A_126 = vector.broadcast %mul3A_125 : f32 to vector<16xf32>
      %mul3A_127 = arith.mulf %mul3A_45, %mul3A_126 : vector<16xf32>
      %mul3A_128 = arith.mulf %get3A_124, %get3A_124 : vector<16xf32>
      %div3A_129 = arith.divf %mul3A_127, %mul3A_128 : vector<16xf32>
      %swap3A_130 = arith.constant 0 : index
      %swap3A_131 = tpu.vector_load %arg21[%swap3A_130] {strides = array<i32>} : memref<16xf32, #tpu.memory_space<vmem>>, vector<16xf32>,
      tpu.vector_store %arg21[%swap3A_130], %div3A_129 {strides = array<i32>} : memref<16xf32, #tpu.memory_space<vmem>>, vector<16xf32>,
      "tpu.region"() ({
        %run_scoped3A = tpu.sem_alloc : memref<!tpu.dma_semaphore, #tpu.memory_space<semaphore_mem>>
        tpu.enqueue_dma source(%arg21 : memref<16xf32, #tpu.memory_space<vmem>>) target(%arg9 : memref<16xf32, #tpu.memory_space<hbm>>) target_semaphore(%run_scoped3A : memref<!tpu.dma_semaphore, #tpu.memory_space<semaphore_mem>>)
        tpu.wait_dma2 semaphore(%run_scoped3A : memref<!tpu.dma_semaphore, #tpu.memory_space<semaphore_mem>>) src(%arg21 : memref<16xf32, #tpu.memory_space<vmem>>) dst(%arg9 : memref<16xf32, #tpu.memory_space<hbm>>)
        tpu.yield
      }) : () -> ()
    } else {
    }
    %dma_wait3A_119 = tpu.memref_slice %arg7[%add3A_7] : memref<32768xf32, #tpu.memory_space<hbm>> -> memref<1024xf32, #tpu.memory_space<hbm>>
    %dma_wait3A_120 = tpu.memref_slice %arg7[%add3A_7] : memref<32768xf32, #tpu.memory_space<hbm>> -> memref<1024xf32, #tpu.memory_space<hbm>>
    tpu.wait_dma2 semaphore(%arg25 : memref<!tpu.dma_semaphore, #tpu.memory_space<semaphore_mem>>) src(%arg16 : memref<1024xf32, #tpu.memory_space<vmem>>) dst(%dma_wait3A_120 : memref<1024xf32, #tpu.memory_space<hbm>>)
    %dma_wait3A_121 = tpu.memref_slice %arg8[%add3A_7] : memref<32768xf32, #tpu.memory_space<hbm>> -> memref<1024xf32, #tpu.memory_space<hbm>>
    %dma_wait3A_122 = tpu.memref_slice %arg8[%add3A_7] : memref<32768xf32, #tpu.memory_space<hbm>> -> memref<1024xf32, #tpu.memory_space<hbm>>
    tpu.wait_dma2 semaphore(%arg25 : memref<!tpu.dma_semaphore, #tpu.memory_space<semaphore_mem>>) src(%arg17 : memref<1024xf32, #tpu.memory_space<vmem>>) dst(%dma_wait3A_122 : memref<1024xf32, #tpu.memory_space<hbm>>)
    return
  }
}

</mosaic_0001>

<sc_bundles>
// kernel: kernel.3.cloned.1.call-start
scs
__scs_entry_jumppad:
0x0: {  	(pc) =	sbr.rel $0x88, $3  }
0x1: {  	(tag) =	ssettag $0x0;
	lr =	simm.s32 $0x1  }
0x2: {  	[smem:$0x3F9C] =	sst lr;
	_ =	strace $0xD0000000  }
0x3: {  	_ = 	snop  }
0x4: {  	_ = 	snop  }
0x5: {  	_ = 	snop  }
0x6: {  	_ = 	snop  }
0x7: {  	_ = 	snop  }
__scs_overlays_trampoline_lowered:
0x8: {  	[smem:$0x3FAB] =	sst s0  }
0x9: {  	[smem:$0x3FAC] =	sst s1  }
0xa: {  	[smem:$0x3FAD] =	sst s2  }
0xb: {  	[smem:$0x3FAE] =	sst s3  }
0xc: {  	[smem:$0x3FAF] =	sst s4  }
0xd: {  	[smem:$0x3FB0] =	sst s5  }
0xe: {  	[smem:$0x3FB1] =	sst s6  }
0xf: {  	[smem:$0x3FB2] =	sst s7  }
0x10: {  	[smem:$0x3FB3] =	sst s8  }
0x11: {  	[smem:$0x3FB4] =	sst s9;
	s0 =	simm.s32 @!p0 $0x0  }
0x12: {  	s1 =	sld [smem:$0x3F9A];
	s0 =	simm.s32 @p0 $0x1  }
0x13: {  	[smem:$0x3FB5] =	sst s0;
	s0 =	simm.s32 @!p1 $0x0  }
0x14: {  	s2 =	sld [smem:$0x3F99];
	s0 =	simm.s32 @p1 $0x1  }
0x15: {  	[smem:$0x3FB6] =	sst s0;
	s0 =	simm.s32 @!p2 $0x0  }
0x16: {  	s3 =	sld [smem:$0x3FDB];
	s0 =	simm.s32 @p2 $0x1  }
0x17: {  	s4 =	simm.s32 $0x1BF5;
	[smem:$0x3FB8] =	sst s0  }
0x18: {  	s0 =	sld [smem:$0x3F9B];
	_ =	swait.ge [sflag:s4], $0x0  }
0x19: {  	s7 =	sld [smem:$0x3F9C]  }
0x1a: {  	s8 =	sadd.s32 $0xFFFFE003, lr  }
0x1b: {  	s9 =	sadd.s32 $0xFFFFFEF7, lr;
	s5 =	simm.s32 $0xFFFFFFFF;
	p2 =	slt.u32 s8, $0xFFFFF086  }
0x1c: {  	p1 =	slt.u32 s9, $0xF7A;
	s5 =	simm.s32 @!p2 $0x0  }
0x1d: {  	s5 =	simm.s32 @p1 $0x1;
	p0 =	seq.s32 s7, s2  }
0x1e: {  	s7 =	smul.u32 @!p0 $0xF7A, s2;
	p2 =	seq.s32 @!p0 s5, $0x0  }
0x1f: {  	s9 =	smul.u32 $0xF7A, s1;
	s8 =	simm.s32 @!p0 $0x1BF5;
	p2 =	por !p2, p0  }
0x20: {  	[sflag:s8] =	ssyncset.s32 @!p0 $0xFFFFF086;
	s6 =	sadd.s32 @!p0 s3, s7;
	s7 =	simm.s32 @!p0 $0x108  }
0x21: {  	s3 =	sadd.s32 s3, s9;
	s6 =	sadd.s32 @!p0 $0x88, s6;
	s7 =	simm.s32 @p2 $0x1082  }
0x22: {  	[simem:s7], [sflag:s8] =	dma.local @!p0 [hbm:s6], $0xF7A  }
0x23: {  	s9 =	sor.u32 $0xD0000000, s2;
	s6 =	simm.s32 $0x108;
	_ =	swait.ge @!p0 [sflag:s8], $0x0  }
0x24: {  	s3 =	sadd.s32 $0x88, s3;
	s6 =	simm.s32 @!p1 $0x1082;
	[sflag:s4] =	ssyncset.s32 $0xFFFFF086  }
0x25: {  	[simem:s6], [sflag:s4] =	dma.local [hbm:s3], $0xF7A  }
0x26: {  	[smem:$0x3F9C] =	sst s1;
	(tag) =	ssettag s2;
	_ =	strace s9  }
0x27: {  	s1 =	sld [smem:$0x3FAC]  }
0x28: {  	s2 =	sld [smem:$0x3FAD]  }
0x29: {  	s4 =	sld [smem:$0x3FAF]  }
0x2a: {  	p0 =	seq.s32 s5, $0x0;
	s5 =	sld [smem:$0x3FB0]  }
0x2b: {  	s6 =	sld [smem:$0x3FB1]  }
0x2c: {  	s7 =	sld [smem:$0x3FB2]  }
0x2d: {  	s3 =	simm.s32 $0x108;
	s8 =	sld [smem:$0x3FB3]  }
0x2e: {  	s3 =	simm.s32 @!p0 $0x1082;
	s9 =	sld [smem:$0x3FB4]  }
0x2f: {  	lr =	sadd.s32 s0, s3;
	s0 =	sld [smem:$0x3FAB]  }
0x30: {  	s3 =	sld [smem:$0x3FAE]  }
0x31: {  	[smem:$0x3FB7] =	sst s10  }
0x32: {  	s10 =	sld [smem:$0x3FB5];
	_ =	sdelay $0x3  }
0x33: {  	p0 =	seq.s32 s10, $0x1;
	s10 =	sld [smem:$0x3FB7];
	_ =	sdelay $0x3  }
0x34: {  	[smem:$0x3FB7] =	sst s10  }
0x35: {  	s10 =	sld [smem:$0x3FB6];
	_ =	sdelay $0x3  }
0x36: {  	p1 =	seq.s32 s10, $0x1;
	s10 =	sld [smem:$0x3FB7];
	_ =	sdelay $0x3  }
0x37: {  	[smem:$0x3FB7] =	sst s10  }
0x38: {  	s10 =	sld [smem:$0x3FB8]  }
0x39: {  	_ = 	snop;
	(pc) =	sbr.ind lr, $3  }
0x3a: {  	_ = 	snop  }
0x3b: {  	_ = 	snop  }
0x3c: {  	p2 =	seq.s32 s10, $0x1;
	s10 =	sld [smem:$0x3FB7]  }
0x3d: {  	_ =	shalt  }
0x3e: {  	_ =	shalt  }
0x3f: {  	_ =	shalt  }
0x40: {  	_ =	shalt  }
0x41: {  	_ =	shalt  }
0x42: {  	_ =	shalt  }
0x43: {  	_ =	shalt  }
0x44: {  	_ =	shalt  }
0x45: {  	_ =	shalt  }
0x46: {  	_ =	shalt  }
0x47: {  	_ =	shalt  }
0x48: {  	_ =	shalt  }
0x49: {  	_ =	shalt  }
0x4a: {  	_ =	shalt  }
0x4b: {  	_ =	shalt  }
0x4c: {  	_ =	shalt  }
0x4d: {  	_ =	shalt  }
0x4e: {  	_ =	shalt  }
0x4f: {  	_ =	shalt  }
0x50: {  	_ =	shalt  }
0x51: {  	_ =	shalt  }
0x52: {  	_ =	shalt  }
0x53: {  	_ =	shalt  }
0x54: {  	_ =	shalt  }
0x55: {  	_ =	shalt  }
0x56: {  	_ =	shalt  }
0x57: {  	_ =	shalt  }
0x58: {  	_ =	shalt  }
0x59: {  	_ =	shalt  }
0x5a: {  	_ =	shalt  }
0x5b: {  	_ =	shalt  }
0x5c: {  	_ =	shalt  }
0x5d: {  	_ =	shalt  }
0x5e: {  	_ =	shalt  }
0x5f: {  	_ =	shalt  }
0x60: {  	_ =	shalt  }
0x61: {  	_ =	shalt  }
0x62: {  	_ =	shalt  }
0x63: {  	_ =	shalt  }
0x64: {  	_ =	shalt  }
0x65: {  	_ =	shalt  }
0x66: {  	_ =	shalt  }
0x67: {  	_ =	shalt  }
0x68: {  	_ =	shalt  }
0x69: {  	_ =	shalt  }
0x6a: {  	_ =	shalt  }
0x6b: {  	_ =	shalt  }
0x6c: {  	_ =	shalt  }
0x6d: {  	_ =	shalt  }
0x6e: {  	_ =	shalt  }
0x6f: {  	_ =	shalt  }
0x70: {  	_ =	shalt  }
0x71: {  	_ =	shalt  }
0x72: {  	_ =	shalt  }
0x73: {  	_ =	shalt  }
0x74: {  	_ =	shalt  }
0x75: {  	_ =	shalt  }
0x76: {  	_ =	shalt  }
0x77: {  	_ =	shalt  }
0x78: {  	_ =	shalt  }
0x79: {  	_ =	shalt  }
0x7a: {  	_ =	shalt  }
0x7b: {  	_ =	shalt  }
0x7c: {  	_ =	shalt  }
0x7d: {  	_ =	shalt  }
0x7e: {  	_ =	shalt  }
0x7f: {  	_ =	shalt  }
0x80: {  	_ =	shalt  }
0x81: {  	_ =	shalt  }
0x82: {  	_ =	shalt  }
0x83: {  	_ =	shalt  }
0x84: {  	_ =	shalt  }
0x85: {  	_ =	shalt  }
0x86: {  	_ =	shalt  }
0x87: {  	_ =	shalt  }
.Lfunc_end0:
.L_simem_size_0:
called_computation_lowered:
.L_overlay_start_0:
0x88: {  	s2 =	sld [smem:$0x3FD9]  }
0x89: {  	s3 =	sld [smem:$0x3FFE];
	_ =	sdelay $0x1  }
0x8a: {  	s1 =	srdreg.scid  }
0x8b: {  	s0 =	sand.u32 $0x1, s1  }
0x8c: {  	s14 =	sshll.u32 s0, $0xA;
	s2 =	sadd.s32 s3, s2  }
0x8d: {  	s2 =	sadd.s32 s2, s14  }
0x8e: {  	[smem:$0x3FC3] =	sst s2  }
0x8f: {  	_ = 	snop  }
0x90: {  	s2 =	sld [smem:$0x3FD0]  }
0x91: {  	s15 =	sld [smem:$0x3FC8]  }
0x92: {  	s4 =	sld [smem:$0x3FC7]  }
0x93: {  	s6 =	simm.s32 $0xA;
	s7 =	simm.s32 $0x10;
	s5 =	sld [smem:$0x3FC5]  }
0x94: {  	[smem:s7], [sflag:s6] =	dma.local [hbm:s2], $0x1  }
0x95: {  	_ =	swait.eq [sflag:s6], $0x1  }
0x96: {  	s16 =	sld [smem:$0x10];
	[sflag:s6] =	ssyncset.done $0x0  }
0x97: {  	s17 =	sld [smem:$0x11];
	[sflag:s6] =	ssyncadd.s32 $0xFFFFFFFF  }
0x98: {  	s18 =	sld [smem:$0x12];
	(tm) =	ssettm $0x1  }
0x99: {  	s8 =	sld [smem:$0x3FFB];
	_ =	sdelay $0x3  }
0x9a: {  	_ =	strace s8  }
0x9b: {  	s8 =	sld [smem:$0x3FFC];
	_ =	sdelay $0x3  }
0x9c: {  	_ =	strace s8  }
0x9d: {  	s8 =	sld [smem:$0x3FFD];
	_ =	sdelay $0x3  }
0x9e: {  	_ =	strace s8  }
0x9f: {  	_ =	strace $0x8FFFFFFF  }
0xa0: {  	s19 =	sld [smem:$0x3FDB];
	_ =	sdelay $0x1  }
0xa1: {  	s9 =	simm.s32 $_scs_section_size  }
0xa2: {  	s10 =	simm.s32 $_size__tile_overlayer_lowered;
	s11 =	simm.s32 $_tile_overlayer_lowered  }
0xa3: {  	s22 =	simm.s32 $0x1BFF;
	s21 =	sshll.u32 s11, $0x1;
	s8 =	sadd.s32 s9, s19  }
0xa4: {  	s12 =	simm.s32 $0x0;
	s20 =	sshll.u32 s10, $0x1;
	s10 =	sadd.s32 s21, s8  }
0xa5: {  	[timem:s12], [sflag:s22] =	dma.local [hbm:s10], s20  }
0xa6: {  	_ =	swait.ge [sflag:s22], s20  }
0xa7: {  	s9 =	ssub.s32 $0x0, s20;
	[sflag:s22] =	ssyncset.done $0x0  }
0xa8: {  	[sflag:s22] =	ssyncadd.s32 s9;
	_ =	sdelay $0x1  }
0xa9: {  	s23 =	simm.s32 $0x1B8B  }
0xaa: {  	_ =	swait.ge [sflag:s23], $0x1  }
0xab: {  	[sflag:s23] =	ssyncset.done $0x0  }
0xac: {  	s25 =	simm.s32 $0x1B8E;
	s24 =	sld [smem:$0x3FFE];
	[sflag:s23] =	ssyncadd.s32 $0xFFFFFFFF  }
0xad: {  	s26 =	simm.s32 $execute0_lowered;
	[smem:$0x3FD2] =	sst s25  }
0xae: {  	s10 =	sshll.u32 s26, $0x1;
	_ =	strace $0x80000046;
	[dreg:$0x1] =	wrdreg $0xFFFFFFFF  }
0xaf: {  	s28 =	simm.s32 $_size_execute0_lowered;
	s8 =	sadd.s32 s8, s10;
	[dreg:$0x0] =	wrdreg $0x0  }
0xb0: {  	s10 =	sshll.u32 s28, $0x1;
	[dreg:$0x2] =	wrdreg s8  }
0xb1: {  	[dreg:$0x3] =	wrdreg s10  }
0xb2: {  	[dreg:$0x4] =	wrdreg $0xC0  }
0xb3: {  	_ =	task [dreg:s12], $0x5FFFF  }
0xb4: {  	[dreg:$0x1] =	wrdreg $0xFFFFFFFF  }
0xb5: {  	[dreg:$0x0] =	wrdreg $0x60  }
0xb6: {  	[dreg:$0x2] =	wrdreg s24  }
0xb7: {  	[dreg:$0x3] =	wrdreg s15  }
0xb8: {  	[dreg:$0x4] =	wrdreg s4  }
0xb9: {  	[dreg:$0x5] =	wrdreg s5  }
0xba: {  	[dreg:$0x6] =	wrdreg s16  }
0xbb: {  	[dreg:$0x7] =	wrdreg s17  }
0xbc: {  	[dreg:$0x8] =	wrdreg s18  }
0xbd: {  	[dreg:$0x9] =	wrdreg $0x23000  }
0xbe: {  	[dreg:$0xa] =	wrdreg $0x9  }
0xbf: {  	_ =	task.clear_ibuf [dreg:s12], $0xBFFFF;
	_ =	strace $0x90000046  }
0xc0: {  	s29 =	simm.s32 $0x9;
	_ =	strace $0x80000048  }
0xc1: {  	_ =	swait.ge [sflag:s29], $0x1  }
0xc2: {  	[sflag:s29] =	ssyncadd.s32 $0xFFFFFFFF  }
0xc3: {  	_ =	strace $0x90000048  }
0xc4: {  	_ =	sfence  }
0xc5: {  	s30 =	sld [smem:$0x0];
	_ =	sdelay $0x2  }
0xc6: {  	s31 =	sshll.u32 s1, $0xD;
	s1 =	sshrl.u32 s1, $0x2  }
0xc7: {  	s3 =	sand.u32 $0x4000, s31;
	s1 =	sadd.s32 s1, s30  }
0xc8: {  	s0 =	sor.u32 s3, s0;
	s1 =	sshll.u32 s1, $0x11  }
0xc9: {  	s0 =	sor.u32 s1, s0  }
0xca: {  	s0 =	sadd.s32 $0x8F2B, s0  }
0xcb: {  	[sflag:s0] =	ssyncadd.remote.s32 $0x1  }
0xcc: {  	_ =	sfence.sel $0xFFFF  }
0xcd: {  	[dreg:$0x0] =	wrdreg $0xFFFFFFFF;
	(pc) =	sbr.abs _section_cstart, $3  }
0xce: {  	[dreg:$0x1] =	wrdreg $0xFFFFFFFF  }
0xcf: {  	_ =	task.clear_ibuf [dreg:s12], $0x2FFFF;
	_ =	strace $0x9FFFFFFF  }
0xd0: {  	(tm) =	ssettm $0x7FFFFFFF  }
0xd1: {  	_ =	shalt  }
tec
execute0_lowered:
.L_overlay_start_1:
0x0: {  	(tag) =	ssettag $0x1  }
0x1: {  	s0 =	rddreg [dreg:$0x0]  }
0x2: {  	s1 =	rddreg [dreg:$0x4]  }
0x3: {  	s2 =	rddreg [dreg:$0x5]  }
0x4: {  	s3 =	rddreg [dreg:$0x7]  }
0x5: {  	s4 =	srdreg.scid;
	s6 =	simm.s32 $0x0;
	s18 =	stileid.u32  }
0x6: {  	s19 =	simm.s32 $0x800;
	s20 =	simm.s32 $0xC00;
	s21 =	simm.s32 $0x1000  }
0x7: {  	s22 =	simm.s32 $0x1400;
	s28 =	simm.s32 $0x1800;
	s29 =	simm.s32 $0x2200  }
0x8: {  	s30 =	simm.s32 $0x2;
	s31 =	simm.s32 $0x2280;
	s4 =	sand.u32 $0x1, s4  }
0x9: {  	[smem:$0x7FF] =	sst s6;
	s7 =	sshrl.u32 s18, $0x1;
	s10 =	sand.u32 $0x1, s18  }
0xa: {  	s11 =	sadd.s32 $0x800, s0;
	s0 =	sadd.s32 $0x3800, s0;
	s14 =	sshll.u32 s18, $0x4  }
0xb: {  	s5 =	sshll.u32 s4, $0x3;
	_ =	strace $0x80000047;
	s23 =	ssub.s32 $0x2, s4  }
0xc: {  	s9 =	sshll.u32 s10, $0x7;
	s15 =	sshll.u32 s10, $0x5;
	s26 =	sor.u32 s18, s4  }
0xd: {  	s5 =	sor.u32 s7, s5;
	s12 =	sshrl.u32 s23, $0x1;
	s15 =	ssub.s32 s14, s15  }
0xe: {  	s14 =	sadd.s32 s14, s3;
	p0 =	sne.s32 s26, $0x0;
	s26 =	simm.s32 $0x1  }
0xf: {  	s8 =	sshll.u32 s5, $0x8;
	s17 =	ssub.s32 s23, s12;
	s25 =	sadd.s32 s3, s15  }
0x10: {  	s23 =	simm.s32 $0x2000;
	v0 =	vmov s5;
	s5 =	simm.s32 $0x0;
	s16 =	sor.u32 s9, s8  }
0x11: {  	s15 =	sadd.s32 $0x10, s25;
	s17 =	smax.u32 s17, $0x1;
	s25 =	simm.s32 $0x2100  }
0x12: {  	s24 =	sor.u32 $0x1000, s16;
	s7 =	sadd.s32 s11, s16;
	s13 =	sor.u32 $0x2000, s16  }
0x13: {  	s10 =	sadd.s32 s0, s16;
	s8 =	sadd.s32 s11, s24;
	s9 =	sadd.s32 s11, s13  }
0x14: {  	v1 =	vlaneseq.u32;
	s11 =	sadd.s32 s0, s24;
	s12 =	sadd.s32 s0, s13;
	s13 =	sadd.s32 s1, s16  }
0x15: {  	vm0 =	veq.s32 v0, v1;
	v0 =	vimm.f32 $0.0e+00;
	v1 =	vimm.s32 $0x0;
	s16 =	sadd.s32 s2, s16;
	s24 =	simm.s32 $0x2080;
	s1 =	simm.s32 $0x1C00  }
.LBB2_1:
0x16: {  	[tilespmem:s6], [sflag:$0x1] =	stream.linear.gather [hbm4b:s7+s6], $0x400, $0x38;
	[tilespmem:$0x2310] =	vst v63  }
0x17: {  	s0 =	simm.s32 $0x400  }
0x18: {  	[tilespmem:s0], [sflag:$0x1] =	stream.linear.gather [hbm4b:s8+s6], $0x400, $0x38;
	[tilespmem:$0x2310] =	vst v63  }
0x19: {  	_ = 	snop  }
0x1a: {  	[tilespmem:s19], [sflag:$0x1] =	stream.linear.gather [hbm4b:s9+s6], $0x400, $0x38;
	[tilespmem:$0x2310] =	vst v63  }
0x1b: {  	_ = 	snop  }
0x1c: {  	[tilespmem:s20], [sflag:$0x1] =	stream.linear.gather [hbm4b:s10+s6], $0x400, $0x38;
	[tilespmem:$0x2310] =	vst v63  }
0x1d: {  	_ = 	snop  }
0x1e: {  	[tilespmem:s21], [sflag:$0x1] =	stream.linear.gather [hbm4b:s11+s6], $0x400, $0x38;
	[tilespmem:$0x2310] =	vst v63  }
0x1f: {  	_ = 	snop  }
0x20: {  	[tilespmem:s22], [sflag:$0x1] =	stream.linear.gather [hbm4b:s12+s6], $0x400, $0x38;
	[tilespmem:$0x2310] =	vst v63  }
0x21: {  	s3 =	rddreg [dreg:$0x1]  }
0x22: {  	[tilespmem:s23], [sflag:$0x1] =	stream.linear.gather [hbm4b:s3+s6], $0x80, $0x38;
	[tilespmem:$0x2310] =	vst v63  }
0x23: {  	s4 =	rddreg [dreg:$0x2]  }
0x24: {  	[tilespmem:s24], [sflag:$0x1] =	stream.linear.gather [hbm4b:s4+s6], $0x80, $0x38;
	[tilespmem:$0x2310] =	vst v63  }
0x25: {  	s18 =	rddreg [dreg:$0x3]  }
0x26: {  	[tilespmem:s25], [sflag:$0x1] =	stream.linear.gather [hbm4b:s18+s6], $0x80, $0x38;
	[tilespmem:$0x2310] =	vst v63  }
0x27: {  	_ =	swait.ge [sflag:s26], $0x400  }
0x28: {  	[sflag:s26] =	ssyncset.done $0x0  }
0x29: {  	[sflag:s26] =	ssyncadd.s32 $0xFFFFFC00  }
0x2a: {  	_ =	swait.ge [sflag:s26], $0x400  }
0x2b: {  	[sflag:s26] =	ssyncset.done $0x0  }
0x2c: {  	[sflag:s26] =	ssyncadd.s32 $0xFFFFFC00  }
0x2d: {  	_ =	swait.ge [sflag:s26], $0x400  }
0x2e: {  	[sflag:s26] =	ssyncset.done $0x0  }
0x2f: {  	[sflag:s26] =	ssyncadd.s32 $0xFFFFFC00  }
0x30: {  	_ =	swait.ge [sflag:s26], $0x400  }
0x31: {  	[sflag:s26] =	ssyncset.done $0x0  }
0x32: {  	[sflag:s26] =	ssyncadd.s32 $0xFFFFFC00  }
0x33: {  	_ =	swait.ge [sflag:s26], $0x400  }
0x34: {  	[sflag:s26] =	ssyncset.done $0x0  }
0x35: {  	[sflag:s26] =	ssyncadd.s32 $0xFFFFFC00  }
0x36: {  	_ =	swait.ge [sflag:s26], $0x400  }
0x37: {  	[sflag:s26] =	ssyncset.done $0x0  }
0x38: {  	[sflag:s26] =	ssyncadd.s32 $0xFFFFFC00  }
0x39: {  	_ =	swait.ge [sflag:s26], $0x80  }
0x3a: {  	[sflag:s26] =	ssyncset.done $0x0  }
0x3b: {  	[sflag:s26] =	ssyncadd.s32 $0xFFFFFF80  }
0x3c: {  	_ =	swait.ge [sflag:s26], $0x80  }
0x3d: {  	[sflag:s26] =	ssyncset.done $0x0  }
0x3e: {  	[sflag:s26] =	ssyncadd.s32 $0xFFFFFF80  }
0x3f: {  	_ =	swait.ge [sflag:s26], $0x80  }
0x40: {  	[sflag:s26] =	ssyncset.done $0x0  }
0x41: {  	[sflag:s26] =	ssyncadd.s32 $0xFFFFFF80  }
0x42: {  	v2 =	vld [tilespmem:$0x2100];
	_ =	sdelay $0x4  }
0x43: {  	v2 =	vmul.f32 $1.177218250e+01, v2;
	_ =	sdelay $0x1  }
0x44: {  	v3 =	vsub.f32 $0.0e+00, v2  }
0x45: {  	v2 =	vmul.f32 $1.442695020e+00, v2  }
0x46: {  	v3 =	vmul.f32 $1.442695020e+00, v3  }
0x47: {  	(erf) = vpow2.f32 v2  }
0x48: {  	(erf) = vpow2.f32 v3;
	_ =	sdelay $0x7  }
0x49: {  	s0 =	simm.s32 $0x0;
	v2 =	vpop (erf)  }
0x4a: {  	v4 =	vld [tilespmem:s0+$0x0];
	v2 =	vmul.f32 $2.350442950e-09, v2;
	v3 =	vpop (erf)  }
0x4b: {  	v5 =	vld [tilespmem:s0+$0xC00];
	v3 =	vmul.f32 $4.254517120e+08, v3  }
0x4c: {  	v7 =	vld [tilespmem:s0+$0x400];
	v6 =	vnsel vm0, $0x0, v2  }
0x4d: {  	v8 =	vld [tilespmem:s0+$0x1400];
	(xrf2) =	vadd.scan.msk.f32 $0xffff, v6;
	v3 =	vnsel vm0, $0x0, v3  }
0x4e: {  	v6 =	vld [tilespmem:s0+$0x1000];
	(xrf2) =	vadd.scan.msk.f32 $0xffff, v3  }
0x4f: {  	s2 =	simm.s32 $0x10;
	v3 =	vld [tilespmem:s0+$0x800]  }
0x50: {  	v9 =	vld [tilespmem:s2+$0x0]  }
0x51: {  	v10 =	vld [tilespmem:s2+$0xC00]  }
0x52: {  	v11 =	vld [tilespmem:s2+$0x400]  }
0x53: {  	v14 =	vld [tilespmem:s2+$0x800];
	v4 =	vsub.f32 v4, v5;
	v5 =	vsub.f32 v7, v6  }
0x54: {  	v6 =	vld [tilespmem:s2+$0x1000];
	v3 =	vsub.f32 v3, v8  }
0x55: {  	s3 =	simm.s32 $0x20;
	v15 =	vld [tilespmem:s2+$0x1400];
	v4 =	vmul.f32 v4, v4;
	v8 =	vmul.f32 v5, v5  }
0x56: {  	v10 =	vsub.f32 v9, v10;
	v9 =	vld [tilespmem:s3+$0x400]  }
0x57: {  	v7 =	vld [tilespmem:s3+$0x0];
	v4 =	vadd.f32 v8, v4;
	v13 =	vmul.f32 v3, v3;
	v12, _, _ =	vpop (xrf2)  }
0x58: {  	v5 =	vld [tilespmem:$0x2000];
	v3, _, _ =	vpop (xrf2)  }
0x59: {  	v8 =	vld [tilespmem:s3+$0xC00];
	v6 =	vsub.f32 v11, v6;
	v11 =	vadd.f32 v13, v4;
	v3 =	vbroadcast v3, $0xF  }
0x5a: {  	v15 =	vsub.f32 v14, v15;
	v4 =	vbroadcast v12, $0xF;
	v12 =	vld [tilespmem:s3+$0x1000];
	v13 =	vmul.f32 v10, v10  }
0x5b: {  	s4 =	simm.s32 $0xC0;
	v10 =	vld [tilespmem:s3+$0x800];
	v16 =	vmul.f32 v6, v6;
	v6 =	vimm.f32 $0.0e+00;
	v14 =	vmul.f32 v11, v3  }
.LBB2_2:
0x5c: {  	s18 =	sshra.s32 s4, $0x2;
	v17 =	vld [tilespmem:s3+$0x1400];
	vm1 =	vlt.f32 v11, v4;
	v11 =	vmov v7;
	p1 =	sne.s32 s4, $0xFC0  }
.Ltmp0:
0x5d: {  	v7 =	vld [tilespmem:s18+$0x0];
	v13 =	vadd.f32 v16, v13;
	v15 =	vmul.f32 v15, v15;
	v14 =	vnsel vm1, $0x0, v14;
	(pc) =	sbr.rel @p1 .LBB2_2-.Ltmp0, $4  }
0x5e: {  	v16 =	vsub.f32 v11, v8;
	v18 =	vsel vm1, $0x3F800000, v0;
	v8 =	vld [tilespmem:s18+$0xC00];
	[tilespmem:s0+$0x1800] =	vst v14  }
0x5f: {  	s4 =	sadd.s32 $0x40, s4;
	v14 =	vsub.f32 v9, v12;
	v9 =	vld [tilespmem:s18+$0x400];
	v11 =	vadd.f32 v15, v13;
	[tilespmem:s0+$0x1C00] =	vst v18;
	s0 =	smov.u32 s2  }
0x60: {  	v6 =	vadd.f32 v18, v6;
	v13 =	vmul.f32 v16, v16;
	s2 =	smov.u32 s3;
	s3 =	smov.u32 s18;
	v12 =	vld [tilespmem:s18+$0x1000]  }
0x61: {  	v15 =	vsub.f32 v10, v17;
	v10 =	vld [tilespmem:s3+$0x800];
	v16 =	vmul.f32 v14, v14;
	v14 =	vmul.f32 v11, v3  }
0x62: {  	v17 =	vld [tilespmem:s3+$0x1400];
	_ =	sdelay $0x2  }
0x63: {  	v7 =	vsub.f32 v7, v8;
	v56 =	vsub.f32 v9, v12  }
0x64: {  	v57 =	vadd.f32 v16, v13;
	v58 =	vmul.f32 v15, v15  }
0x65: {  	v7 =	vmul.f32 v7, v7;
	v10 =	vsub.f32 v10, v17;
	v8 =	vmul.f32 v56, v56  }
0x66: {  	v5 =	vnsel vm0, $0x0, v5;
	vm1 =	vlt.f32 v11, v4  }
0x67: {  	(xrf2) =	vadd.scan.msk.f32 $0xffff, v5;
	v9 =	vadd.f32 v58, v57;
	v7 =	vadd.f32 v8, v7;
	v59 =	vmul.f32 v10, v10  }
0x68: {  	v5 =	vnsel vm1, $0x0, v14;
	v61 =	vsel vm1, $0x3F800000, v0  }
0x69: {  	[tilespmem:s0+$0x1800] =	vst v5;
	v60 =	vmul.f32 v9, v3;
	vm1 =	vlt.f32 v9, v4;
	v7 =	vadd.f32 v59, v7  }
0x6a: {  	[tilespmem:s0+$0x1C00] =	vst v61;
	v5 =	vadd.f32 v61, v6;
	v63 =	vsel vm1, $0x3F800000, v0  }
0x6b: {  	v62 =	vnsel vm1, $0x0, v60;
	[tilespmem:s2+$0x1C00] =	vst v63;
	v3 =	vmul.f32 v7, v3;
	vm1 =	vlt.f32 v7, v4  }
0x6c: {  	[tilespmem:s2+$0x1800] =	vst v62;
	v4 =	vadd.f32 v63, v5;
	v5 =	vsel vm1, $0x3F800000, v0  }
0x6d: {  	v3 =	vnsel vm1, $0x0, v3;
	[tilespmem:s3+$0x1C00] =	vst v5  }
0x6e: {  	s4 =	simm.s32 $0x0;
	[tilespmem:s3+$0x1800] =	vst v3;
	v3 =	vadd.f32 v5, v4  }
0x6f: {  	[hbm4b:s13+s4] =	stream.linear.scatter [tilespmem:s28], [sflag:$0x1], $0x400, $0x38;
	[tilespmem:$0x2310] =	vst v63  }
0x70: {  	[tilespmem:$0x2200] =	vst v3  }
0x71: {  	v4, _, _ =	vpop (xrf2);
	[spmem:s14] =	stream.linear.scatter [tilespmem:s29], [sflag:$0x2], $0x10, $0x38;
	[tilespmem:$0x2310] =	vst v63  }
0x72: {  	_ =	swait.ge [sflag:s30], $0x10  }
0x73: {  	[sflag:s30] =	ssyncset.done $0x0  }
0x74: {  	[sflag:s30] =	ssyncadd.s32 $0xFFFFFFF0  }
0x75: {  	[bflag:$0x0] =	sbarrier.arrive $0xFFFF  }
0x76: {  	[tilespmem:s31], [sflag:$0x2] =	stream.linear.gather [spmem:s15], $0x10, $0x38;
	[tilespmem:$0x2310] =	vst v63  }
0x77: {  	_ =	swait.ge [sflag:s30], $0x10  }
0x78: {  	[sflag:s30] =	ssyncset.done $0x0  }
0x79: {  	[sflag:s30] =	ssyncadd.s32 $0xFFFFFFF0  }
0x7a: {  	v5 =	vld [tilespmem:$0x2280];
	_ =	sdelay $0x4  }
0x7b: {  	v3 =	vadd.f32 v5, v3;
	_ =	sdelay $0x1  }
0x7c: {  	(xrf2) =	vadd.scan.msk.f32 $0xffff, v3;
	_ =	sdelay $0x9  }
0x7d: {  	v3, _, _ =	vpop (xrf2)  }
0x7e: {  	(v2sf) =	vpush v3, $0xF;
	_ =	sdelay $0xe  }
0x7f: {  	s18 =	spop (v2sf)  }
0x80: {  	s0 =	smax.f32 s18, $1.000000000e+00  }
0x81: {  	v5 =	vmov s0  }
0x82: {  	(erf) = vrcp.f32 v5;
	_ =	sdelay $0x5  }
0x83: {  	vm1 =	vgt.f32 v3, $0.0e+00  }
0x84: {  	v3 =	vsel vm1, $0x1, v1  }
0x85: {  	v4 =	vbroadcast v4, $0xF;
	v3 =	vbroadcast v3, $0xF  }
0x86: {  	v5 =	vpop (erf)  }
0x87: {  	v3 =	vand.u32 $0x1, v3;
	v4 =	vmul.f32 v5, v4  }
0x88: {  	vm1 =	veq.s32 v3, $0x1  }
0x89: {  	s2 =	simm.s32 $0x40;
	s0 =	simm.s32 $0x0;
	v3 =	vnsel vm1, $0x0, v4  }
.LBB2_4:
0x8a: {  	p1 =	sne.s32 s2, $0xFC0;
	v4 =	vld [tilespmem:s0+$0x1C00];
	_ =	sdelay $0x2  }
.Ltmp1:
0x8b: {  	(pc) =	sbr.rel @p1 .LBB2_4-.Ltmp1, $3  }
0x8c: {  	_ = 	snop  }
0x8d: {  	v4 =	vmul.f32 v4, v3;
	_ =	sdelay $0x1  }
0x8e: {  	[tilespmem:s0+$0x1C00] =	vst v4;
	s0 =	sshra.s32 s2, $0x2;
	s2 =	sadd.s32 $0x40, s2  }
0x8f: {  	v4 =	vld [tilespmem:s0+$0x1C00];
	_ =	sdelay $0x4  }
0x90: {  	v3 =	vmul.f32 v4, v3;
	_ =	sdelay $0x1  }
0x91: {  	[tilespmem:s0+$0x1C00] =	vst v3  }
0x92: {  	[hbm4b:s16+s6] =	stream.linear.scatter [tilespmem:s1], [sflag:$0x1], $0x400, $0x38;
	[tilespmem:$0x2310] =	vst v63  }
0x93: {  	v3 =	vld @!p0 [tilespmem:$0x2080];
	_ =	sdelay $0x4  }
0x94: {  	v3 =	vmul.f32 @!p0 v3, v3;
	_ =	sdelay $0x1  }
0x95: {  	(erf) = vrcp.f32 @!p0 v3;
	_ =	sdelay $0x7  }
0x96: {  	v2 =	vmul.f32 @!p0 $5.000000000e-01, v2  }
0x97: {  	v3 =	vpop @!p0 (erf)  }
0x98: {  	v2 =	vmul.f32 @!p0 v3, v2;
	_ =	sdelay $0x1  }
0x99: {  	s2 =	simm.s32 @!p0 $0x2180;
	s3 =	rddreg [dreg:$0x6];
	s0 =	simm.s32 @!p0 $0x0;
	[tilespmem:$0x2180] =	vst @!p0 v2  }
0x9a: {  	[hbm4b:s3+s0] =	stream.linear.scatter @!p0 [tilespmem:s2], [sflag:$0x2], $0x80, $0x38;
	[tilespmem:$0x2310] =	vst v63  }
0x9b: {  	s0 =	simm.s32 @!p0 $0x2  }
0x9c: {  	_ =	swait.ge @!p0 [sflag:s0], $0x80  }
0x9d: {  	[sflag:s0] =	ssyncset.done @!p0 $0x0  }
0x9e: {  	s5 =	sadd.s32 $0x1, s5;
	[sflag:s0] =	ssyncadd.s32 @!p0 $0xFFFFFF80  }
0x9f: {  	p1 =	sne.s32 s5, s17;
	_ =	swait.ge [sflag:s26], $0x400  }
.Ltmp2:
0xa0: {  	[sflag:s26] =	ssyncset.done $0x0;
	(pc) =	sbr.rel @p1 .LBB2_1-.Ltmp2, $4  }
0xa1: {  	[sflag:s26] =	ssyncadd.s32 $0xFFFFFC00  }
0xa2: {  	_ =	swait.ge [sflag:s26], $0x400  }
0xa3: {  	[sflag:s26] =	ssyncset.done $0x0  }
0xa4: {  	[sflag:s26] =	ssyncadd.s32 $0xFFFFFC00  }
0xa5: {  	_ =	sfence.sel $0x180000  }
0xa6: {  	[bflag:$0x0] =	sbarrier.arrive $0xFFFF  }
0xa7: {  	_ =	strace $0x90000047  }
0xa8: {  	s0 =	stileid.u32;
	[bflag:$0x2] =	sbarrier.arrive $0xFFFF  }
0xa9: {  	p0 =	sne.s32 s0, $0x0;
	s0 =	rddreg [dreg:$0x8]  }
0xaa: {  	s0 =	sadd.s32 @!p0 $0x100000, s0  }
0xab: {  	[sflag:s0] =	ssyncadd.tile.s32 @!p0 $0x1;
	_ =	shalt  }
.Lfunc_end2:
_tile_overlayer_lowered:
.L_overlay_start_2:
0xac: {  	(tag) =	ssettag $0x2  }
0xad: {  	s0 =	rddreg [dreg:$0x0];
	s2 =	stileid.u32  }
0xae: {  	s1 =	rddreg [dreg:$0x1];
	p0 =	sne.s32 s2, $0x0  }
0xaf: {  	s3 =	rddreg [dreg:$0x2];
	[bflag:$0x3] =	sbarrier.arrive $0xFFFF;
	s2 =	simm.s32 @!p0 $0x1C02  }
0xb0: {  	[timem:s3], [sflag:s2] =	dma.local @!p0 [hbm:s0], s1  }
0xb1: {  	s0 =	simm.s32 @!p0 $0x2  }
0xb2: {  	_ =	swait.ge @!p0 [sflag:s0], s1  }
0xb3: {  	s1 =	ssub.s32 @!p0 $0x0, s1;
	[sflag:s0] =	ssyncset.done @!p0 $0x0  }
0xb4: {  	[sflag:s0] =	ssyncadd.s32 @!p0 s1  }
0xb5: {  	[bflag:$0x3] =	sbarrier.arrive $0xFFFF  }
0xb6: {  	_ =	shalt  }

</sc_bundles>
